<compile_context>
chip_gen: v7x
topology: tpu7x:2x2x1
jax: 0.10.2.dev20260603
libtpu: 0.0.44.dev20260713+nightly
codegen_flags: <defaults>
</compile_context>

<pallas_src>
import functools

import jax
import jax.numpy as jnp
from jax import lax
from jax.experimental import pallas as pl
from jax.experimental.pallas import tpu as pltpu
from jax.experimental.pallas import tpu_sc as plsc

NUM = 8192
HALF = NUM // 2
DIM = 32
TILE_M = 512


def _vq_idx_kernel(x_ref, e_ref, idx_ref):
    x = x_ref[...]
    e = e_ref[...]
    xsq = jnp.sum(x * x, axis=1, keepdims=True)
    esq = jnp.sum(e * e, axis=1)
    mm = jax.lax.dot_general(
        x.astype(jnp.bfloat16), e.astype(jnp.bfloat16),
        (((1,), (1,)), ((), ())),
        preferred_element_type=jnp.float32)
    d = (xsq + esq[None, :]) - 2.0 * mm

    d_lo, d_hi = d[:, :HALF], d[:, HALF:]
    m_lo = jnp.min(d_lo, axis=1, keepdims=True)
    m_hi = jnp.min(d_hi, axis=1, keepdims=True)
    idx_lo = jnp.argmin(d_lo, axis=1).astype(jnp.int32)
    idx_hi = jnp.argmin(d_hi, axis=1).astype(jnp.int32) + HALF
    m_lo_q = m_lo.astype(jnp.bfloat16).astype(jnp.float32)
    take_hi = m_hi[:, 0] < m_lo_q[:, 0]
    idx_ref[0, 0, :] = jnp.where(take_hi, idx_hi, idx_lo)


_info = plsc.get_sparse_core_info()
_NC, _NS = _info.num_cores, _info.num_subcores
_NW = _NC * _NS


_LANES = 128
_B = 65536
_B_PER_W = _B // _NW
_CHUNK = 512


@functools.partial(
    pl.kernel,
    mesh=plsc.VectorSubcoreMesh(core_axis_name="c", subcore_axis_name="s"),
    out_type=jax.ShapeDtypeStruct((_B, _LANES), jnp.float32),
    scratch_types=[
        pltpu.VMEM((_CHUNK,), jnp.int32),
        pltpu.VMEM((_CHUNK, _LANES), jnp.float32),
        pltpu.SemaphoreType.DMA,
    ],
)
def _sc_gather(table_hbm, idx_hbm, out_hbm, idx_v, rows_v, sem):
    wid = lax.axis_index("s") * _NC + lax.axis_index("c")
    base = wid * _B_PER_W
    for c in range(_B_PER_W // _CHUNK):
        off = base + c * _CHUNK
        pltpu.sync_copy(idx_hbm.at[pl.ds(off, _CHUNK)], idx_v)
        pltpu.async_copy(table_hbm.at[idx_v], rows_v, sem).wait()
        pltpu.sync_copy(rows_v, out_hbm.at[pl.ds(off, _CHUNK)])


def kernel(inputs, embeddings):
    input_shape = inputs.shape
    flat = inputs.reshape(-1, DIM)
    n = flat.shape[0]
    nblk = n // TILE_M
    idx = pl.pallas_call(
        _vq_idx_kernel,
        grid=(nblk,),
        in_specs=[
            pl.BlockSpec((TILE_M, DIM), lambda i: (i, 0)),
            pl.BlockSpec((NUM, DIM), lambda i: (0, 0)),
        ],
        out_specs=pl.BlockSpec((1, 1, TILE_M), lambda i: (i, 0, 0)),
        out_shape=jax.ShapeDtypeStruct((nblk, 1, TILE_M), jnp.int32),
    )(flat, embeddings)
    table = jnp.pad(embeddings, ((0, 0), (0, _LANES - DIM)))
    q = _sc_gather(table, idx.reshape(n))
    return q[:, :DIM].reshape(input_shape)

# --- scband reference (transcript-rebuilt; emitter-appended) ---
"""Pipeline reference for scband-vqvaemodel-79680233275699 (READ-ONLY COPY).

The authoritative reference and input builder live on the scoring server;
editing this copy changes nothing except your own understanding.
"""

import jax, jax.numpy as jnp
import numpy as np

NUM_EMBEDDINGS = 8192
EMBEDDING_DIM = 32

def setup_inputs(seed: int = 0) -> dict:
    key = jax.random.key(seed)
    k1, k2 = jax.random.split(key)
    inputs = jax.random.normal(k1, (64, 32, 32, EMBEDDING_DIM), dtype=jnp.float32)
    # keras 'uniform' initializer default range is [-0.05, 0.05]
    embeddings = jax.random.uniform(k2, (NUM_EMBEDDINGS, EMBEDDING_DIM), minval=-0.05, maxval=0.05, dtype=jnp.float32)
    return {"inputs": inputs, "embeddings": embeddings}

def reference(inputs, embeddings):
    input_shape = inputs.shape
    flat_inputs = inputs.reshape(-1, EMBEDDING_DIM)
    # squared L2 distances to every codebook entry
    distances = (
        jnp.sum(flat_inputs ** 2, axis=1, keepdims=True)
        + jnp.sum(embeddings ** 2, axis=1)
        - 2.0 * jnp.matmul(flat_inputs, embeddings.T)
    )
    encoding_indices = jnp.argmin(distances, axis=1)
    # codebook gather (embedding lookup)
    quantized = jnp.take(embeddings, encoding_indices, axis=0)
    quantized = quantized.reshape(input_shape)
    # straight-through estimator
    quantized_st = inputs + jax.lax.stop_gradient(quantized - inputs)
    return quantized_st

if __name__ == "__main__":
    import jax
    _d = setup_inputs()
    print(jax.jit(kernel)(*tuple(_d.values())))

</pallas_src>

<mosaic_0001>
#map = affine_map<(d0, d1) -> (0, 0)>
#map1 = affine_map<(d0, d1) -> (0)>
module attributes {stable_mosaic.version = 14 : i64} {
  func.func @_sc_gather(%arg0: i32, %arg1: i32, %arg2: memref<8192x128xf32, #tpu.memory_space<hbm>>, %arg3: memref<65536xi32, #tpu.memory_space<hbm>>, %arg4: memref<65536x128xf32, #tpu.memory_space<hbm>>, %arg5: memref<512xi32, #tpu.memory_space<vmem>>, %arg6: memref<512x128xf32, #tpu.memory_space<vmem>>, %arg7: memref<!tpu.dma_semaphore, #tpu.memory_space<semaphore_mem>>) attributes {dimension_semantics = [#tpu.dimension_semantics<core_parallel>, #tpu.dimension_semantics<subcore_parallel>], iteration_bounds = array<i64: 2, 16>, scalar_prefetch = 0 : i64, scratch_operands = 3 : i64, tpu.core_type = #tpu.core_type<sc_vector_subcore>, window_params = [{transform_indices = #map}, {transform_indices = #map1}, {transform_indices = #map}]} {
    %mul3A = arith.constant 2 : i32
    %mul3A_0 = arith.muli %arg1, %mul3A : i32
    %add3A = arith.addi %mul3A_0, %arg0 : i32
    %mul3A_1 = arith.constant 2048 : i32
    %mul3A_2 = arith.muli %add3A, %mul3A_1 : i32
    %add3A_3 = arith.constant 0 : i32
    %add3A_4 = arith.addi %mul3A_2, %add3A_3 : i32
    "tpu.region"() ({
      %run_scoped3A = tpu.sem_alloc : memref<!tpu.dma_semaphore, #tpu.memory_space<semaphore_mem>>
      %dma_start3A_33 = tpu.memref_slice %arg3[%add3A_4] : memref<65536xi32, #tpu.memory_space<hbm>> -> memref<512xi32, #tpu.memory_space<hbm>>
      %dma_start3A_34 = tpu.memref_slice %arg3[%add3A_4] : memref<65536xi32, #tpu.memory_space<hbm>> -> memref<512xi32, #tpu.memory_space<hbm>>
      tpu.enqueue_dma source(%dma_start3A_34 : memref<512xi32, #tpu.memory_space<hbm>>) target(%arg5 : memref<512xi32, #tpu.memory_space<vmem>>) target_semaphore(%run_scoped3A : memref<!tpu.dma_semaphore, #tpu.memory_space<semaphore_mem>>)
      %dma_wait3A_35 = tpu.memref_slice %arg3[%add3A_4] : memref<65536xi32, #tpu.memory_space<hbm>> -> memref<512xi32, #tpu.memory_space<hbm>>
      %dma_wait3A_36 = tpu.memref_slice %arg3[%add3A_4] : memref<65536xi32, #tpu.memory_space<hbm>> -> memref<512xi32, #tpu.memory_space<hbm>>
      tpu.wait_dma2 semaphore(%run_scoped3A : memref<!tpu.dma_semaphore, #tpu.memory_space<semaphore_mem>>) src(%dma_wait3A_36 : memref<512xi32, #tpu.memory_space<hbm>>) dst(%arg5 : memref<512xi32, #tpu.memory_space<vmem>>)
      tpu.yield
    }) : () -> ()
    %dma_start3A = arith.constant 0 : i32
    %dma_start3A_5 = arith.constant 0 : i32
    %dma_start3A_6 = tpu.memref_slice %arg2[%dma_start3A, %dma_start3A_5] : memref<8192x128xf32, #tpu.memory_space<hbm>> -> memref<8192x128xf32, #tpu.memory_space<hbm>>
    tpu.enqueue_indirect_dma source(%dma_start3A_6 : memref<8192x128xf32, #tpu.memory_space<hbm>>) target(%arg6 : memref<512x128xf32, #tpu.memory_space<vmem>>) offsets(%arg5 : memref<512xi32, #tpu.memory_space<vmem>>) semaphore(%arg7 : memref<!tpu.dma_semaphore, #tpu.memory_space<semaphore_mem>>)
    %dma_wait3A = arith.constant 0 : i32
    %dma_wait3A_7 = arith.constant 0 : i32
    %dma_wait3A_8 = tpu.memref_slice %arg2[%dma_wait3A, %dma_wait3A_7] : memref<8192x128xf32, #tpu.memory_space<hbm>> -> memref<8192x128xf32, #tpu.memory_space<hbm>>
    tpu.wait_indirect_dma semaphore(%arg7 : memref<!tpu.dma_semaphore, #tpu.memory_space<semaphore_mem>>) src(%dma_wait3A_8 : memref<8192x128xf32, #tpu.memory_space<hbm>>) dst(%arg6 : memref<512x128xf32, #tpu.memory_space<vmem>>)
    "tpu.region"() ({
      %run_scoped3A = tpu.sem_alloc : memref<!tpu.dma_semaphore, #tpu.memory_space<semaphore_mem>>
      %dma_start3A_33 = arith.constant 0 : i32
      %dma_start3A_34 = tpu.memref_slice %arg4[%add3A_4, %dma_start3A_33] : memref<65536x128xf32, #tpu.memory_space<hbm>> -> memref<512x128xf32, #tpu.memory_space<hbm>>
      %dma_start3A_35 = arith.constant 0 : i32
      %dma_start3A_36 = tpu.memref_slice %arg4[%add3A_4, %dma_start3A_35] : memref<65536x128xf32, #tpu.memory_space<hbm>> -> memref<512x128xf32, #tpu.memory_space<hbm>>
      tpu.enqueue_dma source(%arg6 : memref<512x128xf32, #tpu.memory_space<vmem>>) target(%dma_start3A_36 : memref<512x128xf32, #tpu.memory_space<hbm>>) target_semaphore(%run_scoped3A : memref<!tpu.dma_semaphore, #tpu.memory_space<semaphore_mem>>)
      %dma_wait3A_37 = arith.constant 0 : i32
      %dma_wait3A_38 = tpu.memref_slice %arg4[%add3A_4, %dma_wait3A_37] : memref<65536x128xf32, #tpu.memory_space<hbm>> -> memref<512x128xf32, #tpu.memory_space<hbm>>
      %dma_wait3A_39 = arith.constant 0 : i32
      %dma_wait3A_40 = tpu.memref_slice %arg4[%add3A_4, %dma_wait3A_39] : memref<65536x128xf32, #tpu.memory_space<hbm>> -> memref<512x128xf32, #tpu.memory_space<hbm>>
      tpu.wait_dma2 semaphore(%run_scoped3A : memref<!tpu.dma_semaphore, #tpu.memory_space<semaphore_mem>>) src(%arg6 : memref<512x128xf32, #tpu.memory_space<vmem>>) dst(%dma_wait3A_40 : memref<512x128xf32, #tpu.memory_space<hbm>>)
      tpu.yield
    }) : () -> ()
    %add3A_9 = arith.constant 512 : i32
    %add3A_10 = arith.addi %mul3A_2, %add3A_9 : i32
    "tpu.region"() ({
      %run_scoped3A = tpu.sem_alloc : memref<!tpu.dma_semaphore, #tpu.memory_space<semaphore_mem>>
      %dma_start3A_33 = tpu.memref_slice %arg3[%add3A_10] : memref<65536xi32, #tpu.memory_space<hbm>> -> memref<512xi32, #tpu.memory_space<hbm>>
      %dma_start3A_34 = tpu.memref_slice %arg3[%add3A_10] : memref<65536xi32, #tpu.memory_space<hbm>> -> memref<512xi32, #tpu.memory_space<hbm>>
      tpu.enqueue_dma source(%dma_start3A_34 : memref<512xi32, #tpu.memory_space<hbm>>) target(%arg5 : memref<512xi32, #tpu.memory_space<vmem>>) target_semaphore(%run_scoped3A : memref<!tpu.dma_semaphore, #tpu.memory_space<semaphore_mem>>)
      %dma_wait3A_35 = tpu.memref_slice %arg3[%add3A_10] : memref<65536xi32, #tpu.memory_space<hbm>> -> memref<512xi32, #tpu.memory_space<hbm>>
      %dma_wait3A_36 = tpu.memref_slice %arg3[%add3A_10] : memref<65536xi32, #tpu.memory_space<hbm>> -> memref<512xi32, #tpu.memory_space<hbm>>
      tpu.wait_dma2 semaphore(%run_scoped3A : memref<!tpu.dma_semaphore, #tpu.memory_space<semaphore_mem>>) src(%dma_wait3A_36 : memref<512xi32, #tpu.memory_space<hbm>>) dst(%arg5 : memref<512xi32, #tpu.memory_space<vmem>>)
      tpu.yield
    }) : () -> ()
    %dma_start3A_11 = arith.constant 0 : i32
    %dma_start3A_12 = arith.constant 0 : i32
    %dma_start3A_13 = tpu.memref_slice %arg2[%dma_start3A_11, %dma_start3A_12] : memref<8192x128xf32, #tpu.memory_space<hbm>> -> memref<8192x128xf32, #tpu.memory_space<hbm>>
    tpu.enqueue_indirect_dma source(%dma_start3A_13 : memref<8192x128xf32, #tpu.memory_space<hbm>>) target(%arg6 : memref<512x128xf32, #tpu.memory_space<vmem>>) offsets(%arg5 : memref<512xi32, #tpu.memory_space<vmem>>) semaphore(%arg7 : memref<!tpu.dma_semaphore, #tpu.memory_space<semaphore_mem>>)
    %dma_wait3A_14 = arith.constant 0 : i32
    %dma_wait3A_15 = arith.constant 0 : i32
    %dma_wait3A_16 = tpu.memref_slice %arg2[%dma_wait3A_14, %dma_wait3A_15] : memref<8192x128xf32, #tpu.memory_space<hbm>> -> memref<8192x128xf32, #tpu.memory_space<hbm>>
    tpu.wait_indirect_dma semaphore(%arg7 : memref<!tpu.dma_semaphore, #tpu.memory_space<semaphore_mem>>) src(%dma_wait3A_16 : memref<8192x128xf32, #tpu.memory_space<hbm>>) dst(%arg6 : memref<512x128xf32, #tpu.memory_space<vmem>>)
    "tpu.region"() ({
      %run_scoped3A = tpu.sem_alloc : memref<!tpu.dma_semaphore, #tpu.memory_space<semaphore_mem>>
      %dma_start3A_33 = arith.constant 0 : i32
      %dma_start3A_34 = tpu.memref_slice %arg4[%add3A_10, %dma_start3A_33] : memref<65536x128xf32, #tpu.memory_space<hbm>> -> memref<512x128xf32, #tpu.memory_space<hbm>>
      %dma_start3A_35 = arith.constant 0 : i32
      %dma_start3A_36 = tpu.memref_slice %arg4[%add3A_10, %dma_start3A_35] : memref<65536x128xf32, #tpu.memory_space<hbm>> -> memref<512x128xf32, #tpu.memory_space<hbm>>
      tpu.enqueue_dma source(%arg6 : memref<512x128xf32, #tpu.memory_space<vmem>>) target(%dma_start3A_36 : memref<512x128xf32, #tpu.memory_space<hbm>>) target_semaphore(%run_scoped3A : memref<!tpu.dma_semaphore, #tpu.memory_space<semaphore_mem>>)
      %dma_wait3A_37 = arith.constant 0 : i32
      %dma_wait3A_38 = tpu.memref_slice %arg4[%add3A_10, %dma_wait3A_37] : memref<65536x128xf32, #tpu.memory_space<hbm>> -> memref<512x128xf32, #tpu.memory_space<hbm>>
      %dma_wait3A_39 = arith.constant 0 : i32
      %dma_wait3A_40 = tpu.memref_slice %arg4[%add3A_10, %dma_wait3A_39] : memref<65536x128xf32, #tpu.memory_space<hbm>> -> memref<512x128xf32, #tpu.memory_space<hbm>>
      tpu.wait_dma2 semaphore(%run_scoped3A : memref<!tpu.dma_semaphore, #tpu.memory_space<semaphore_mem>>) src(%arg6 : memref<512x128xf32, #tpu.memory_space<vmem>>) dst(%dma_wait3A_40 : memref<512x128xf32, #tpu.memory_space<hbm>>)
      tpu.yield
    }) : () -> ()
    %add3A_17 = arith.constant 1024 : i32
    %add3A_18 = arith.addi %mul3A_2, %add3A_17 : i32
    "tpu.region"() ({
      %run_scoped3A = tpu.sem_alloc : memref<!tpu.dma_semaphore, #tpu.memory_space<semaphore_mem>>
      %dma_start3A_33 = tpu.memref_slice %arg3[%add3A_18] : memref<65536xi32, #tpu.memory_space<hbm>> -> memref<512xi32, #tpu.memory_space<hbm>>
      %dma_start3A_34 = tpu.memref_slice %arg3[%add3A_18] : memref<65536xi32, #tpu.memory_space<hbm>> -> memref<512xi32, #tpu.memory_space<hbm>>
      tpu.enqueue_dma source(%dma_start3A_34 : memref<512xi32, #tpu.memory_space<hbm>>) target(%arg5 : memref<512xi32, #tpu.memory_space<vmem>>) target_semaphore(%run_scoped3A : memref<!tpu.dma_semaphore, #tpu.memory_space<semaphore_mem>>)
      %dma_wait3A_35 = tpu.memref_slice %arg3[%add3A_18] : memref<65536xi32, #tpu.memory_space<hbm>> -> memref<512xi32, #tpu.memory_space<hbm>>
      %dma_wait3A_36 = tpu.memref_slice %arg3[%add3A_18] : memref<65536xi32, #tpu.memory_space<hbm>> -> memref<512xi32, #tpu.memory_space<hbm>>
      tpu.wait_dma2 semaphore(%run_scoped3A : memref<!tpu.dma_semaphore, #tpu.memory_space<semaphore_mem>>) src(%dma_wait3A_36 : memref<512xi32, #tpu.memory_space<hbm>>) dst(%arg5 : memref<512xi32, #tpu.memory_space<vmem>>)
      tpu.yield
    }) : () -> ()
    %dma_start3A_19 = arith.constant 0 : i32
    %dma_start3A_20 = arith.constant 0 : i32
    %dma_start3A_21 = tpu.memref_slice %arg2[%dma_start3A_19, %dma_start3A_20] : memref<8192x128xf32, #tpu.memory_space<hbm>> -> memref<8192x128xf32, #tpu.memory_space<hbm>>
    tpu.enqueue_indirect_dma source(%dma_start3A_21 : memref<8192x128xf32, #tpu.memory_space<hbm>>) target(%arg6 : memref<512x128xf32, #tpu.memory_space<vmem>>) offsets(%arg5 : memref<512xi32, #tpu.memory_space<vmem>>) semaphore(%arg7 : memref<!tpu.dma_semaphore, #tpu.memory_space<semaphore_mem>>)
    %dma_wait3A_22 = arith.constant 0 : i32
    %dma_wait3A_23 = arith.constant 0 : i32
    %dma_wait3A_24 = tpu.memref_slice %arg2[%dma_wait3A_22, %dma_wait3A_23] : memref<8192x128xf32, #tpu.memory_space<hbm>> -> memref<8192x128xf32, #tpu.memory_space<hbm>>
    tpu.wait_indirect_dma semaphore(%arg7 : memref<!tpu.dma_semaphore, #tpu.memory_space<semaphore_mem>>) src(%dma_wait3A_24 : memref<8192x128xf32, #tpu.memory_space<hbm>>) dst(%arg6 : memref<512x128xf32, #tpu.memory_space<vmem>>)
    "tpu.region"() ({
      %run_scoped3A = tpu.sem_alloc : memref<!tpu.dma_semaphore, #tpu.memory_space<semaphore_mem>>
      %dma_start3A_33 = arith.constant 0 : i32
      %dma_start3A_34 = tpu.memref_slice %arg4[%add3A_18, %dma_start3A_33] : memref<65536x128xf32, #tpu.memory_space<hbm>> -> memref<512x128xf32, #tpu.memory_space<hbm>>
      %dma_start3A_35 = arith.constant 0 : i32
      %dma_start3A_36 = tpu.memref_slice %arg4[%add3A_18, %dma_start3A_35] : memref<65536x128xf32, #tpu.memory_space<hbm>> -> memref<512x128xf32, #tpu.memory_space<hbm>>
      tpu.enqueue_dma source(%arg6 : memref<512x128xf32, #tpu.memory_space<vmem>>) target(%dma_start3A_36 : memref<512x128xf32, #tpu.memory_space<hbm>>) target_semaphore(%run_scoped3A : memref<!tpu.dma_semaphore, #tpu.memory_space<semaphore_mem>>)
      %dma_wait3A_37 = arith.constant 0 : i32
      %dma_wait3A_38 = tpu.memref_slice %arg4[%add3A_18, %dma_wait3A_37] : memref<65536x128xf32, #tpu.memory_space<hbm>> -> memref<512x128xf32, #tpu.memory_space<hbm>>
      %dma_wait3A_39 = arith.constant 0 : i32
      %dma_wait3A_40 = tpu.memref_slice %arg4[%add3A_18, %dma_wait3A_39] : memref<65536x128xf32, #tpu.memory_space<hbm>> -> memref<512x128xf32, #tpu.memory_space<hbm>>
      tpu.wait_dma2 semaphore(%run_scoped3A : memref<!tpu.dma_semaphore, #tpu.memory_space<semaphore_mem>>) src(%arg6 : memref<512x128xf32, #tpu.memory_space<vmem>>) dst(%dma_wait3A_40 : memref<512x128xf32, #tpu.memory_space<hbm>>)
      tpu.yield
    }) : () -> ()
    %add3A_25 = arith.constant 1536 : i32
    %add3A_26 = arith.addi %mul3A_2, %add3A_25 : i32
    "tpu.region"() ({
      %run_scoped3A = tpu.sem_alloc : memref<!tpu.dma_semaphore, #tpu.memory_space<semaphore_mem>>
      %dma_start3A_33 = tpu.memref_slice %arg3[%add3A_26] : memref<65536xi32, #tpu.memory_space<hbm>> -> memref<512xi32, #tpu.memory_space<hbm>>
      %dma_start3A_34 = tpu.memref_slice %arg3[%add3A_26] : memref<65536xi32, #tpu.memory_space<hbm>> -> memref<512xi32, #tpu.memory_space<hbm>>
      tpu.enqueue_dma source(%dma_start3A_34 : memref<512xi32, #tpu.memory_space<hbm>>) target(%arg5 : memref<512xi32, #tpu.memory_space<vmem>>) target_semaphore(%run_scoped3A : memref<!tpu.dma_semaphore, #tpu.memory_space<semaphore_mem>>)
      %dma_wait3A_35 = tpu.memref_slice %arg3[%add3A_26] : memref<65536xi32, #tpu.memory_space<hbm>> -> memref<512xi32, #tpu.memory_space<hbm>>
      %dma_wait3A_36 = tpu.memref_slice %arg3[%add3A_26] : memref<65536xi32, #tpu.memory_space<hbm>> -> memref<512xi32, #tpu.memory_space<hbm>>
      tpu.wait_dma2 semaphore(%run_scoped3A : memref<!tpu.dma_semaphore, #tpu.memory_space<semaphore_mem>>) src(%dma_wait3A_36 : memref<512xi32, #tpu.memory_space<hbm>>) dst(%arg5 : memref<512xi32, #tpu.memory_space<vmem>>)
      tpu.yield
    }) : () -> ()
    %dma_start3A_27 = arith.constant 0 : i32
    %dma_start3A_28 = arith.constant 0 : i32
    %dma_start3A_29 = tpu.memref_slice %arg2[%dma_start3A_27, %dma_start3A_28] : memref<8192x128xf32, #tpu.memory_space<hbm>> -> memref<8192x128xf32, #tpu.memory_space<hbm>>
    tpu.enqueue_indirect_dma source(%dma_start3A_29 : memref<8192x128xf32, #tpu.memory_space<hbm>>) target(%arg6 : memref<512x128xf32, #tpu.memory_space<vmem>>) offsets(%arg5 : memref<512xi32, #tpu.memory_space<vmem>>) semaphore(%arg7 : memref<!tpu.dma_semaphore, #tpu.memory_space<semaphore_mem>>)
    %dma_wait3A_30 = arith.constant 0 : i32
    %dma_wait3A_31 = arith.constant 0 : i32
    %dma_wait3A_32 = tpu.memref_slice %arg2[%dma_wait3A_30, %dma_wait3A_31] : memref<8192x128xf32, #tpu.memory_space<hbm>> -> memref<8192x128xf32, #tpu.memory_space<hbm>>
    tpu.wait_indirect_dma semaphore(%arg7 : memref<!tpu.dma_semaphore, #tpu.memory_space<semaphore_mem>>) src(%dma_wait3A_32 : memref<8192x128xf32, #tpu.memory_space<hbm>>) dst(%arg6 : memref<512x128xf32, #tpu.memory_space<vmem>>)
    "tpu.region"() ({
      %run_scoped3A = tpu.sem_alloc : memref<!tpu.dma_semaphore, #tpu.memory_space<semaphore_mem>>
      %dma_start3A_33 = arith.constant 0 : i32
      %dma_start3A_34 = tpu.memref_slice %arg4[%add3A_26, %dma_start3A_33] : memref<65536x128xf32, #tpu.memory_space<hbm>> -> memref<512x128xf32, #tpu.memory_space<hbm>>
      %dma_start3A_35 = arith.constant 0 : i32
      %dma_start3A_36 = tpu.memref_slice %arg4[%add3A_26, %dma_start3A_35] : memref<65536x128xf32, #tpu.memory_space<hbm>> -> memref<512x128xf32, #tpu.memory_space<hbm>>
      tpu.enqueue_dma source(%arg6 : memref<512x128xf32, #tpu.memory_space<vmem>>) target(%dma_start3A_36 : memref<512x128xf32, #tpu.memory_space<hbm>>) target_semaphore(%run_scoped3A : memref<!tpu.dma_semaphore, #tpu.memory_space<semaphore_mem>>)
      %dma_wait3A_37 = arith.constant 0 : i32
      %dma_wait3A_38 = tpu.memref_slice %arg4[%add3A_26, %dma_wait3A_37] : memref<65536x128xf32, #tpu.memory_space<hbm>> -> memref<512x128xf32, #tpu.memory_space<hbm>>
      %dma_wait3A_39 = arith.constant 0 : i32
      %dma_wait3A_40 = tpu.memref_slice %arg4[%add3A_26, %dma_wait3A_39] : memref<65536x128xf32, #tpu.memory_space<hbm>> -> memref<512x128xf32, #tpu.memory_space<hbm>>
      tpu.wait_dma2 semaphore(%run_scoped3A : memref<!tpu.dma_semaphore, #tpu.memory_space<semaphore_mem>>) src(%arg6 : memref<512x128xf32, #tpu.memory_space<vmem>>) dst(%dma_wait3A_40 : memref<512x128xf32, #tpu.memory_space<hbm>>)
      tpu.yield
    }) : () -> ()
    return
  }
}

module attributes {stable_mosaic.version = 14 : i64} {
  func.func @_vq_idx_kernel(%arg0: i32, %arg1: memref<512x32xf32, #tpu.memory_space<vmem>>, %arg2: memref<8192x32xf32, #tpu.memory_space<vmem>>, %arg3: memref<1x1x512xi32, #tpu.memory_space<vmem>>) attributes {dimension_semantics = [#tpu.dimension_semantics<arbitrary>], iteration_bounds = array<i64: 128>, scalar_prefetch = 0 : i64, scratch_operands = 0 : i64, tpu.core_type = #tpu.core_type<tc>, window_params = [{transform_indices = @transform_0, window_bounds = array<i64: 512, 32>}, {pipeline_mode = #tpu.pipeline_mode<synchronous>, transform_indices = @transform_1, window_bounds = array<i64: 8192, 32>}, {transform_indices = @transform_2, window_bounds = array<i64: 1, 1, 512>}]} {
    %get3A = arith.constant 0 : index
    %get3A_0 = arith.constant 0 : index
    %get3A_1 = vector.load %arg1[%get3A, %get3A_0] : memref<512x32xf32, #tpu.memory_space<vmem>>, vector<512x32xf32>
    %get3A_2 = arith.constant 0 : index
    %get3A_3 = arith.constant 0 : index
    %get3A_4 = vector.load %arg2[%get3A_2, %get3A_3] : memref<8192x32xf32, #tpu.memory_space<vmem>>, vector<8192x32xf32>
    %mul3A = arith.mulf %get3A_1, %get3A_1 : vector<512x32xf32>
    %reduce_sum3A = arith.constant dense<0.000000e+00> : vector<512xf32>
    %reduce_sum3A_5 = vector.multi_reduction <add>, %mul3A, %reduce_sum3A [1] : vector<512x32xf32> to vector<512xf32>
    %broadcast_in_dim3A = vector.shape_cast %reduce_sum3A_5 : vector<512xf32> to vector<512x1xf32>
    %mul3A_6 = arith.mulf %get3A_4, %get3A_4 : vector<8192x32xf32>
    %reduce_sum3A_7 = arith.constant dense<0.000000e+00> : vector<8192xf32>
    %reduce_sum3A_8 = vector.multi_reduction <add>, %mul3A_6, %reduce_sum3A_7 [1] : vector<8192x32xf32> to vector<8192xf32>
    %convert_element_type3A = arith.truncf %get3A_1 : vector<512x32xf32> to vector<512x32xbf16>
    %convert_element_type3A_9 = arith.truncf %get3A_4 : vector<8192x32xf32> to vector<8192x32xbf16>
    %dot_general3A = arith.constant dense<0.000000e+00> : vector<512x8192xf32>
    %dot_general3A_10 = tpu.matmul %convert_element_type3A, %convert_element_type3A_9, %dot_general3A {dimension_numbers = #tpu.dot_dimension_numbers<[1], [1], [0], [0], [0, 0, 1, 0], [], []>, transpose_lhs_hint = false} : vector<512x32xbf16>, vector<8192x32xbf16>, vector<512x8192xf32> -> vector<512x8192xf32>
    %broadcast_in_dim3A_11 = vector.shape_cast %reduce_sum3A_8 : vector<8192xf32> to vector<1x8192xf32>
    %add3A = vector.broadcast %broadcast_in_dim3A : vector<512x1xf32> to vector<512x8192xf32>
    %add3A_12 = vector.broadcast %broadcast_in_dim3A_11 : vector<1x8192xf32> to vector<512x8192xf32>
    %add3A_13 = arith.addf %add3A, %add3A_12 : vector<512x8192xf32>
    %mul3A_14 = arith.constant 2.000000e+00 : f32
    %mul3A_15 = vector.broadcast %mul3A_14 : f32 to vector<512x8192xf32>
    %mul3A_16 = arith.mulf %mul3A_15, %dot_general3A_10 : vector<512x8192xf32>
    %sub3A = arith.subf %add3A_13, %mul3A_16 : vector<512x8192xf32>
    %slice3A = vector.extract_strided_slice %sub3A {offsets = [0, 0], sizes = [512, 4096], strides = [1, 1]} : vector<512x8192xf32> to vector<512x4096xf32>
    %slice3A_17 = vector.extract_strided_slice %sub3A {offsets = [0, 4096], sizes = [512, 4096], strides = [1, 1]} : vector<512x8192xf32> to vector<512x4096xf32>
    %reduce_min3A = arith.constant dense<0x7F800000> : vector<512xf32>
    %reduce_min3A_18 = vector.multi_reduction <minimumf>, %slice3A, %reduce_min3A [1] : vector<512x4096xf32> to vector<512xf32>
    %broadcast_in_dim3A_19 = vector.shape_cast %reduce_min3A_18 : vector<512xf32> to vector<512x1xf32>
    %reduce_min3A_20 = arith.constant dense<0x7F800000> : vector<512xf32>
    %reduce_min3A_21 = vector.multi_reduction <minimumf>, %slice3A_17, %reduce_min3A_20 [1] : vector<512x4096xf32> to vector<512xf32>
    %broadcast_in_dim3A_22 = vector.shape_cast %reduce_min3A_21 : vector<512xf32> to vector<512x1xf32>
    %argmin3A = tpu.reduce_index %slice3A {axis = 1 : i32, kind = #tpu.reduction_kind<arg_min>} : vector<512x4096xf32> -> vector<512xi32>
    %argmin3A_23 = tpu.reduce_index %slice3A_17 {axis = 1 : i32, kind = #tpu.reduction_kind<arg_min>} : vector<512x4096xf32> -> vector<512xi32>
    %add3A_24 = arith.constant 4096 : i32
    %add3A_25 = vector.broadcast %add3A_24 : i32 to vector<512xi32>
    %add3A_26 = arith.addi %argmin3A_23, %add3A_25 : vector<512xi32>
    %convert_element_type3A_27 = arith.truncf %broadcast_in_dim3A_19 : vector<512x1xf32> to vector<512x1xbf16>
    %convert_element_type3A_28 = arith.extf %convert_element_type3A_27 : vector<512x1xbf16> to vector<512x1xf32>
    %squeeze3A = vector.shape_cast %broadcast_in_dim3A_22 : vector<512x1xf32> to vector<512xf32>
    %squeeze3A_29 = vector.shape_cast %convert_element_type3A_28 : vector<512x1xf32> to vector<512xf32>
    %lt3A = arith.cmpf olt, %squeeze3A, %squeeze3A_29 : vector<512xf32>
    %select_n3A = arith.select %lt3A, %add3A_26, %argmin3A : vector<512xi1>, vector<512xi32>
    %swap3A = arith.constant 0 : index
    %swap3A_30 = arith.constant 0 : index
    %swap3A_31 = arith.constant 0 : index
    %swap3A_32 = vector.load %arg3[%swap3A, %swap3A_30, %swap3A_31] : memref<1x1x512xi32, #tpu.memory_space<vmem>>, vector<1x1x512xi32>
    %swap3A_33 = vector.shape_cast %swap3A_32 : vector<1x1x512xi32> to vector<512xi32>
    %swap3A_34 = vector.shape_cast %select_n3A : vector<512xi32> to vector<1x1x512xi32>
    tpu.vector_store %arg3[%swap3A, %swap3A_30, %swap3A_31], %swap3A_34 {strides = array<i32>} : memref<1x1x512xi32, #tpu.memory_space<vmem>>, vector<1x1x512xi32>,
    return
  }
  func.func @transform_0(%arg0: i32) -> (i32, i32) {
    %c0_i32 = arith.constant 0 : i32
    %c0_i32_0 = arith.constant 0 : i32
    return %arg0, %c0_i32 : i32, i32
  }
  func.func @transform_1(%arg0: i32) -> (i32, i32) {
    %c0_i32 = arith.constant 0 : i32
    %c0_i32_0 = arith.constant 0 : i32
    %c0_i32_1 = arith.constant 0 : i32
    return %c0_i32, %c0_i32_0 : i32, i32
  }
  func.func @transform_2(%arg0: i32) -> (i32, i32, i32) {
    %c0_i32 = arith.constant 0 : i32
    %c0_i32_0 = arith.constant 0 : i32
    %c0_i32_1 = arith.constant 0 : i32
    return %arg0, %c0_i32, %c0_i32_0 : i32, i32, i32
  }
}

</mosaic_0001>

<sc_bundles>
// kernel: kernel.4.cloned.1.call-start
scs
__scs_entry_jumppad:
0x0: {  	(pc) =	sbr.rel $0x88, $3  }
0x1: {  	(tag) =	ssettag $0x0;
	lr =	simm.s32 $0x1  }
0x2: {  	[smem:$0x3F9F] =	sst lr;
	_ =	strace $0xD0000000  }
0x3: {  	_ = 	snop  }
0x4: {  	_ = 	snop  }
0x5: {  	_ = 	snop  }
0x6: {  	_ = 	snop  }
0x7: {  	_ = 	snop  }
__scs_overlays_trampoline_lowered:
0x8: {  	[smem:$0x3FAE] =	sst s0  }
0x9: {  	[smem:$0x3FAF] =	sst s1  }
0xa: {  	[smem:$0x3FB0] =	sst s2  }
0xb: {  	[smem:$0x3FB1] =	sst s3  }
0xc: {  	[smem:$0x3FB2] =	sst s4  }
0xd: {  	[smem:$0x3FB3] =	sst s5  }
0xe: {  	[smem:$0x3FB4] =	sst s6  }
0xf: {  	[smem:$0x3FB5] =	sst s7  }
0x10: {  	[smem:$0x3FB6] =	sst s8  }
0x11: {  	[smem:$0x3FB7] =	sst s9;
	s0 =	simm.s32 @!p0 $0x0  }
0x12: {  	s1 =	sld [smem:$0x3F9D];
	s0 =	simm.s32 @p0 $0x1  }
0x13: {  	[smem:$0x3FB8] =	sst s0;
	s0 =	simm.s32 @!p1 $0x0  }
0x14: {  	s2 =	sld [smem:$0x3F9C];
	s0 =	simm.s32 @p1 $0x1  }
0x15: {  	[smem:$0x3FB9] =	sst s0;
	s0 =	simm.s32 @!p2 $0x0  }
0x16: {  	s3 =	sld [smem:$0x3FDB];
	s0 =	simm.s32 @p2 $0x1  }
0x17: {  	s4 =	simm.s32 $0x1BF5;
	[smem:$0x3FBB] =	sst s0  }
0x18: {  	s0 =	sld [smem:$0x3F9E];
	_ =	swait.ge [sflag:s4], $0x0  }
0x19: {  	s7 =	sld [smem:$0x3F9F]  }
0x1a: {  	s8 =	sadd.s32 $0xFFFFE003, lr  }
0x1b: {  	s9 =	sadd.s32 $0xFFFFFEF7, lr;
	s5 =	simm.s32 $0xFFFFFFFF;
	p2 =	slt.u32 s8, $0xFFFFF086  }
0x1c: {  	p1 =	slt.u32 s9, $0xF7A;
	s5 =	simm.s32 @!p2 $0x0  }
0x1d: {  	s5 =	simm.s32 @p1 $0x1;
	p0 =	seq.s32 s7, s2  }
0x1e: {  	s7 =	smul.u32 @!p0 $0xF7A, s2;
	p2 =	seq.s32 @!p0 s5, $0x0  }
0x1f: {  	s9 =	smul.u32 $0xF7A, s1;
	s8 =	simm.s32 @!p0 $0x1BF5;
	p2 =	por !p2, p0  }
0x20: {  	[sflag:s8] =	ssyncset.s32 @!p0 $0xFFFFF086;
	s6 =	sadd.s32 @!p0 s3, s7;
	s7 =	simm.s32 @!p0 $0x108  }
0x21: {  	s3 =	sadd.s32 s3, s9;
	s6 =	sadd.s32 @!p0 $0x88, s6;
	s7 =	simm.s32 @p2 $0x1082  }
0x22: {  	[simem:s7], [sflag:s8] =	dma.local @!p0 [hbm:s6], $0xF7A  }
0x23: {  	s9 =	sor.u32 $0xD0000000, s2;
	s6 =	simm.s32 $0x108;
	_ =	swait.ge @!p0 [sflag:s8], $0x0  }
0x24: {  	s3 =	sadd.s32 $0x88, s3;
	s6 =	simm.s32 @!p1 $0x1082;
	[sflag:s4] =	ssyncset.s32 $0xFFFFF086  }
0x25: {  	[simem:s6], [sflag:s4] =	dma.local [hbm:s3], $0xF7A  }
0x26: {  	[smem:$0x3F9F] =	sst s1;
	(tag) =	ssettag s2;
	_ =	strace s9  }
0x27: {  	s1 =	sld [smem:$0x3FAF]  }
0x28: {  	s2 =	sld [smem:$0x3FB0]  }
0x29: {  	s4 =	sld [smem:$0x3FB2]  }
0x2a: {  	p0 =	seq.s32 s5, $0x0;
	s5 =	sld [smem:$0x3FB3]  }
0x2b: {  	s6 =	sld [smem:$0x3FB4]  }
0x2c: {  	s7 =	sld [smem:$0x3FB5]  }
0x2d: {  	s3 =	simm.s32 $0x108;
	s8 =	sld [smem:$0x3FB6]  }
0x2e: {  	s3 =	simm.s32 @!p0 $0x1082;
	s9 =	sld [smem:$0x3FB7]  }
0x2f: {  	lr =	sadd.s32 s0, s3;
	s0 =	sld [smem:$0x3FAE]  }
0x30: {  	s3 =	sld [smem:$0x3FB1]  }
0x31: {  	[smem:$0x3FBA] =	sst s10  }
0x32: {  	s10 =	sld [smem:$0x3FB8];
	_ =	sdelay $0x3  }
0x33: {  	p0 =	seq.s32 s10, $0x1;
	s10 =	sld [smem:$0x3FBA];
	_ =	sdelay $0x3  }
0x34: {  	[smem:$0x3FBA] =	sst s10  }
0x35: {  	s10 =	sld [smem:$0x3FB9];
	_ =	sdelay $0x3  }
0x36: {  	p1 =	seq.s32 s10, $0x1;
	s10 =	sld [smem:$0x3FBA];
	_ =	sdelay $0x3  }
0x37: {  	[smem:$0x3FBA] =	sst s10  }
0x38: {  	s10 =	sld [smem:$0x3FBB]  }
0x39: {  	_ = 	snop;
	(pc) =	sbr.ind lr, $3  }
0x3a: {  	_ = 	snop  }
0x3b: {  	_ = 	snop  }
0x3c: {  	p2 =	seq.s32 s10, $0x1;
	s10 =	sld [smem:$0x3FBA]  }
0x3d: {  	_ =	shalt  }
0x3e: {  	_ =	shalt  }
0x3f: {  	_ =	shalt  }
0x40: {  	_ =	shalt  }
0x41: {  	_ =	shalt  }
0x42: {  	_ =	shalt  }
0x43: {  	_ =	shalt  }
0x44: {  	_ =	shalt  }
0x45: {  	_ =	shalt  }
0x46: {  	_ =	shalt  }
0x47: {  	_ =	shalt  }
0x48: {  	_ =	shalt  }
0x49: {  	_ =	shalt  }
0x4a: {  	_ =	shalt  }
0x4b: {  	_ =	shalt  }
0x4c: {  	_ =	shalt  }
0x4d: {  	_ =	shalt  }
0x4e: {  	_ =	shalt  }
0x4f: {  	_ =	shalt  }
0x50: {  	_ =	shalt  }
0x51: {  	_ =	shalt  }
0x52: {  	_ =	shalt  }
0x53: {  	_ =	shalt  }
0x54: {  	_ =	shalt  }
0x55: {  	_ =	shalt  }
0x56: {  	_ =	shalt  }
0x57: {  	_ =	shalt  }
0x58: {  	_ =	shalt  }
0x59: {  	_ =	shalt  }
0x5a: {  	_ =	shalt  }
0x5b: {  	_ =	shalt  }
0x5c: {  	_ =	shalt  }
0x5d: {  	_ =	shalt  }
0x5e: {  	_ =	shalt  }
0x5f: {  	_ =	shalt  }
0x60: {  	_ =	shalt  }
0x61: {  	_ =	shalt  }
0x62: {  	_ =	shalt  }
0x63: {  	_ =	shalt  }
0x64: {  	_ =	shalt  }
0x65: {  	_ =	shalt  }
0x66: {  	_ =	shalt  }
0x67: {  	_ =	shalt  }
0x68: {  	_ =	shalt  }
0x69: {  	_ =	shalt  }
0x6a: {  	_ =	shalt  }
0x6b: {  	_ =	shalt  }
0x6c: {  	_ =	shalt  }
0x6d: {  	_ =	shalt  }
0x6e: {  	_ =	shalt  }
0x6f: {  	_ =	shalt  }
0x70: {  	_ =	shalt  }
0x71: {  	_ =	shalt  }
0x72: {  	_ =	shalt  }
0x73: {  	_ =	shalt  }
0x74: {  	_ =	shalt  }
0x75: {  	_ =	shalt  }
0x76: {  	_ =	shalt  }
0x77: {  	_ =	shalt  }
0x78: {  	_ =	shalt  }
0x79: {  	_ =	shalt  }
0x7a: {  	_ =	shalt  }
0x7b: {  	_ =	shalt  }
0x7c: {  	_ =	shalt  }
0x7d: {  	_ =	shalt  }
0x7e: {  	_ =	shalt  }
0x7f: {  	_ =	shalt  }
0x80: {  	_ =	shalt  }
0x81: {  	_ =	shalt  }
0x82: {  	_ =	shalt  }
0x83: {  	_ =	shalt  }
0x84: {  	_ =	shalt  }
0x85: {  	_ =	shalt  }
0x86: {  	_ =	shalt  }
0x87: {  	_ =	shalt  }
.Lfunc_end0:
.L_simem_size_0:
called_computation_lowered:
.L_overlay_start_0:
0x88: {  	s2 =	sld [smem:$0x3FD9]  }
0x89: {  	s3 =	sld [smem:$0x3FFE];
	_ =	sdelay $0x1  }
0x8a: {  	s1 =	srdreg.scid  }
0x8b: {  	s0 =	sand.u32 $0x1, s1  }
0x8c: {  	s17 =	sshll.u32 s0, $0xA;
	s2 =	sadd.s32 s3, s2  }
0x8d: {  	s2 =	sadd.s32 s2, s17  }
0x8e: {  	[smem:$0x3FC6] =	sst s2  }
0x8f: {  	_ = 	snop  }
0x90: {  	s2 =	sld [smem:$0x3FD0];
	(tm) =	ssettm $0x1  }
0x91: {  	s18 =	sld [smem:$0x3FFB];
	_ =	sdelay $0x3  }
0x92: {  	_ =	strace s18  }
0x93: {  	s3 =	sld [smem:$0x3FFC];
	_ =	sdelay $0x3  }
0x94: {  	_ =	strace s3  }
0x95: {  	s3 =	sld [smem:$0x3FFD];
	_ =	sdelay $0x3  }
0x96: {  	_ =	strace s3  }
0x97: {  	_ =	strace $0x8FFFFFFF  }
0x98: {  	s19 =	sld [smem:$0x3FDB];
	_ =	sdelay $0x1  }
0x99: {  	s4 =	simm.s32 $_scs_section_size  }
0x9a: {  	s5 =	simm.s32 $_size__tile_overlayer_lowered;
	s6 =	simm.s32 $_tile_overlayer_lowered  }
0x9b: {  	s22 =	simm.s32 $0x1BFF;
	s21 =	sshll.u32 s6, $0x1;
	s3 =	sadd.s32 s4, s19  }
0x9c: {  	s7 =	simm.s32 $0x0;
	s20 =	sshll.u32 s5, $0x1;
	s5 =	sadd.s32 s21, s3  }
0x9d: {  	[timem:s7], [sflag:s22] =	dma.local [hbm:s5], s20  }
0x9e: {  	_ =	swait.ge [sflag:s22], s20  }
0x9f: {  	s4 =	ssub.s32 $0x0, s20;
	[sflag:s22] =	ssyncset.done $0x0  }
0xa0: {  	[sflag:s22] =	ssyncadd.s32 s4;
	_ =	sdelay $0x1  }
0xa1: {  	s23 =	simm.s32 $0x1B8B  }
0xa2: {  	_ =	swait.ge [sflag:s23], $0x1  }
0xa3: {  	[sflag:s23] =	ssyncset.done $0x0  }
0xa4: {  	s25 =	simm.s32 $0x1B8E;
	s24 =	sld [smem:$0x3FFE];
	[sflag:s23] =	ssyncadd.s32 $0xFFFFFFFF  }
0xa5: {  	s26 =	simm.s32 $execute0_lowered;
	[smem:$0x3FD2] =	sst s25  }
0xa6: {  	s5 =	sshll.u32 s26, $0x1;
	_ =	strace $0x80000046;
	[dreg:$0x1] =	wrdreg $0xFFFFFFFF  }
0xa7: {  	s28 =	simm.s32 $_size_execute0_lowered;
	s3 =	sadd.s32 s3, s5;
	[dreg:$0x0] =	wrdreg $0x0  }
0xa8: {  	s5 =	sshll.u32 s28, $0x1;
	[dreg:$0x2] =	wrdreg s3  }
0xa9: {  	[dreg:$0x3] =	wrdreg s5  }
0xaa: {  	[dreg:$0x4] =	wrdreg $0xC0  }
0xab: {  	_ =	task [dreg:s7], $0x5FFFF  }
0xac: {  	[dreg:$0x1] =	wrdreg $0xFFFFFFFF  }
0xad: {  	[dreg:$0x0] =	wrdreg $0x60  }
0xae: {  	[dreg:$0x2] =	wrdreg s2  }
0xaf: {  	[dreg:$0x3] =	wrdreg s24  }
0xb0: {  	[dreg:$0x4] =	wrdreg $0x9  }
0xb1: {  	_ =	task.clear_ibuf [dreg:s7], $0x5FFFF;
	_ =	strace $0x90000046  }
0xb2: {  	s29 =	simm.s32 $0x9;
	_ =	strace $0x80000048  }
0xb3: {  	_ =	swait.ge [sflag:s29], $0x1  }
0xb4: {  	[sflag:s29] =	ssyncadd.s32 $0xFFFFFFFF  }
0xb5: {  	_ =	strace $0x90000048  }
0xb6: {  	_ =	sfence  }
0xb7: {  	s30 =	sld [smem:$0x0];
	_ =	sdelay $0x2  }
0xb8: {  	s31 =	sshll.u32 s1, $0xD;
	s1 =	sshrl.u32 s1, $0x2  }
0xb9: {  	s3 =	sand.u32 $0x4000, s31;
	s1 =	sadd.s32 s1, s30  }
0xba: {  	s0 =	sor.u32 s3, s0;
	s1 =	sshll.u32 s1, $0x11  }
0xbb: {  	s0 =	sor.u32 s1, s0  }
0xbc: {  	s0 =	sadd.s32 $0x8F2B, s0  }
0xbd: {  	[sflag:s0] =	ssyncadd.remote.s32 $0x1  }
0xbe: {  	_ =	sfence.sel $0xFFFF  }
0xbf: {  	[dreg:$0x0] =	wrdreg $0xFFFFFFFF;
	(pc) =	sbr.abs _section_cstart, $3  }
0xc0: {  	[dreg:$0x1] =	wrdreg $0xFFFFFFFF  }
0xc1: {  	_ =	task.clear_ibuf [dreg:s7], $0x2FFFF;
	_ =	strace $0x9FFFFFFF  }
0xc2: {  	(tm) =	ssettm $0x7FFFFFFF  }
0xc3: {  	_ =	shalt  }
tec
execute0_lowered:
.L_overlay_start_1:
0x0: {  	(tag) =	ssettag $0x1  }
0x1: {  	s1 =	srdreg.scid  }
0x2: {  	s2 =	rddreg [dreg:$0x0];
	s0 =	stileid.u32;
	s14 =	sand.u32 $0x1, s1  }
0x3: {  	s8 =	rddreg [dreg:$0x1];
	s4 =	sshll.u32 s0, $0xC;
	s5 =	sshll.u32 s14, $0xB  }
0x4: {  	s3 =	simm.s32 $0x0;
	s1 =	rddreg [dreg:$0x2];
	s13 =	sor.u32 s5, s4  }
0x5: {  	[smem:$0x7FF] =	sst s3;
	s15 =	sadd.s32 $0x600, s8;
	s4 =	sshrl.u32 s13, $0x3  }
0x6: {  	_ =	strace $0x80000047;
	s5 =	sadd.s32 s15, s4;
	s4 =	simm.s32 $0x2  }
0x7: {  	[tilespmem:s3], [sflag:$0x2] =	stream.linear.gather [hbm4b:s5+s3], $0x200, $0x38;
	[tilespmem:$0x10200] =	vst v63  }
0x8: {  	_ =	swait.ge [sflag:s4], $0x200  }
0x9: {  	[sflag:s4] =	ssyncset.done $0x0  }
0xa: {  	s6 =	simm.s32 $0x200;
	s7 =	simm.s32 $0x1;
	[sflag:s4] =	ssyncadd.s32 $0xFFFFFE00  }
0xb: {  	[tilespmem:s6], [sflag:$0x1] =	stream.indirect.gather [hbm4b:s2+s6], $0x80, s3, s6, $0xb8;
	[tilespmem:$0x10200] =	vst v63  }
0xc: {  	_ =	swait.ge [sflag:s7], $0x10000  }
0xd: {  	s16 =	sadd.s32 $0x2600, s8;
	s29 =	sshll.u32 s13, $0x4;
	[sflag:s7] =	ssyncset.done $0x0  }
0xe: {  	s8 =	sadd.s32 s16, s29;
	[sflag:s7] =	ssyncadd.s32 $0xFFFF0000  }
0xf: {  	[hbm4b:s8+s3] =	stream.linear.scatter [tilespmem:s6], [sflag:$0x2], $0x10000, $0x38;
	[tilespmem:$0x10200] =	vst v63  }
0x10: {  	s10 =	sor.u32 $0x200, s13;
	_ =	swait.ge [sflag:s4], $0x10000  }
0x11: {  	s9 =	sshrl.u32 s10, $0x3;
	[sflag:s4] =	ssyncset.done $0x0  }
0x12: {  	s9 =	sadd.s32 s15, s9;
	[sflag:s4] =	ssyncadd.s32 $0xFFFF0000  }
0x13: {  	[tilespmem:s3], [sflag:$0x2] =	stream.linear.gather [hbm4b:s9+s3], $0x200, $0x38;
	[tilespmem:$0x10200] =	vst v63  }
0x14: {  	_ =	swait.ge [sflag:s4], $0x200  }
0x15: {  	[sflag:s4] =	ssyncset.done $0x0  }
0x16: {  	[sflag:s4] =	ssyncadd.s32 $0xFFFFFE00  }
0x17: {  	[tilespmem:s6], [sflag:$0x1] =	stream.indirect.gather [hbm4b:s2+s6], $0x80, s3, s6, $0xb8;
	[tilespmem:$0x10200] =	vst v63  }
0x18: {  	_ =	swait.ge [sflag:s7], $0x10000  }
0x19: {  	s10 =	sshll.u32 s10, $0x4;
	[sflag:s7] =	ssyncset.done $0x0  }
0x1a: {  	s10 =	sadd.s32 s16, s10;
	[sflag:s7] =	ssyncadd.s32 $0xFFFF0000  }
0x1b: {  	[hbm4b:s10+s3] =	stream.linear.scatter [tilespmem:s6], [sflag:$0x2], $0x10000, $0x38;
	[tilespmem:$0x10200] =	vst v63  }
0x1c: {  	s12 =	sor.u32 $0x400, s13;
	_ =	swait.ge [sflag:s4], $0x10000  }
0x1d: {  	s11 =	sshrl.u32 s12, $0x3;
	[sflag:s4] =	ssyncset.done $0x0  }
0x1e: {  	s11 =	sadd.s32 s15, s11;
	[sflag:s4] =	ssyncadd.s32 $0xFFFF0000  }
0x1f: {  	[tilespmem:s3], [sflag:$0x2] =	stream.linear.gather [hbm4b:s11+s3], $0x200, $0x38;
	[tilespmem:$0x10200] =	vst v63  }
0x20: {  	_ =	swait.ge [sflag:s4], $0x200  }
0x21: {  	[sflag:s4] =	ssyncset.done $0x0  }
0x22: {  	[sflag:s4] =	ssyncadd.s32 $0xFFFFFE00  }
0x23: {  	[tilespmem:s6], [sflag:$0x1] =	stream.indirect.gather [hbm4b:s2+s6], $0x80, s3, s6, $0xb8;
	[tilespmem:$0x10200] =	vst v63  }
0x24: {  	_ =	swait.ge [sflag:s7], $0x10000  }
0x25: {  	s12 =	sshll.u32 s12, $0x4;
	[sflag:s7] =	ssyncset.done $0x0  }
0x26: {  	s12 =	sadd.s32 s16, s12;
	[sflag:s7] =	ssyncadd.s32 $0xFFFF0000  }
0x27: {  	[hbm4b:s12+s3] =	stream.linear.scatter [tilespmem:s6], [sflag:$0x2], $0x10000, $0x38;
	[tilespmem:$0x10200] =	vst v63  }
0x28: {  	s17 =	sor.u32 $0x600, s13;
	_ =	swait.ge [sflag:s4], $0x10000  }
0x29: {  	s13 =	sshrl.u32 s17, $0x3;
	[sflag:s4] =	ssyncset.done $0x0  }
0x2a: {  	s14 =	ssub.s32 $0x2, s14;
	s13 =	sadd.s32 s15, s13;
	[sflag:s4] =	ssyncadd.s32 $0xFFFF0000  }
0x2b: {  	[tilespmem:s3], [sflag:$0x2] =	stream.linear.gather [hbm4b:s13+s3], $0x200, $0x38;
	[tilespmem:$0x10200] =	vst v63  }
0x2c: {  	s30 =	sshrl.u32 s14, $0x1;
	_ =	swait.ge [sflag:s4], $0x200  }
0x2d: {  	s15 =	ssub.s32 s14, s30;
	[sflag:s4] =	ssyncset.done $0x0  }
0x2e: {  	s15 =	smax.u32 s15, $0x1;
	[sflag:s4] =	ssyncadd.s32 $0xFFFFFE00  }
0x2f: {  	[tilespmem:s6], [sflag:$0x1] =	stream.indirect.gather [hbm4b:s2+s6], $0x80, s3, s6, $0xb8;
	[tilespmem:$0x10200] =	vst v63  }
0x30: {  	p0 =	sne.s32 s15, $0x1;
	_ =	swait.ge [sflag:s7], $0x10000  }
.Ltmp0:
0x31: {  	s31 =	sshll.u32 s17, $0x4;
	[sflag:s7] =	ssyncset.done $0x0;
	(pc) =	sbr.rel @!p0 .LBB2_2-.Ltmp0, $4  }
0x32: {  	s14 =	sadd.s32 s16, s31;
	[sflag:s7] =	ssyncadd.s32 $0xFFFF0000  }
0x33: {  	[hbm4b:s14+s3] =	stream.linear.scatter [tilespmem:s6], [sflag:$0x2], $0x10000, $0x38;
	[tilespmem:$0x10200] =	vst v63  }
0x34: {  	_ =	swait.ge [sflag:s4], $0x10000  }
0x35: {  	s15 =	sadd.s32 $0xFFFFFFFF, s15;
	[sflag:s4] =	ssyncset.done $0x0  }
.LBB2_1:
0x36: {  	p0 =	sne.s32 s15, $0x1;
	s15 =	sadd.s32 $0xFFFFFFFF, s15;
	[sflag:s4] =	ssyncadd.s32 $0xFFFF0000  }
0x37: {  	[tilespmem:s3], [sflag:$0x2] =	stream.linear.gather [hbm4b:s5+s3], $0x200, $0x38;
	[tilespmem:$0x10200] =	vst v63  }
0x38: {  	_ =	swait.ge [sflag:s4], $0x200  }
0x39: {  	[sflag:s4] =	ssyncset.done $0x0  }
0x3a: {  	[sflag:s4] =	ssyncadd.s32 $0xFFFFFE00  }
0x3b: {  	[tilespmem:s6], [sflag:$0x1] =	stream.indirect.gather [hbm4b:s2+s6], $0x80, s3, s6, $0xb8;
	[tilespmem:$0x10200] =	vst v63  }
0x3c: {  	_ =	swait.ge [sflag:s7], $0x10000  }
0x3d: {  	[sflag:s7] =	ssyncset.done $0x0  }
0x3e: {  	[sflag:s7] =	ssyncadd.s32 $0xFFFF0000  }
0x3f: {  	[hbm4b:s8+s3] =	stream.linear.scatter [tilespmem:s6], [sflag:$0x2], $0x10000, $0x38;
	[tilespmem:$0x10200] =	vst v63  }
0x40: {  	_ =	swait.ge [sflag:s4], $0x10000  }
0x41: {  	[sflag:s4] =	ssyncset.done $0x0  }
0x42: {  	[sflag:s4] =	ssyncadd.s32 $0xFFFF0000  }
0x43: {  	[tilespmem:s3], [sflag:$0x2] =	stream.linear.gather [hbm4b:s9+s3], $0x200, $0x38;
	[tilespmem:$0x10200] =	vst v63  }
0x44: {  	_ =	swait.ge [sflag:s4], $0x200  }
0x45: {  	[sflag:s4] =	ssyncset.done $0x0  }
0x46: {  	[sflag:s4] =	ssyncadd.s32 $0xFFFFFE00  }
0x47: {  	[tilespmem:s6], [sflag:$0x1] =	stream.indirect.gather [hbm4b:s2+s6], $0x80, s3, s6, $0xb8;
	[tilespmem:$0x10200] =	vst v63  }
0x48: {  	_ =	swait.ge [sflag:s7], $0x10000  }
0x49: {  	[sflag:s7] =	ssyncset.done $0x0  }
0x4a: {  	[sflag:s7] =	ssyncadd.s32 $0xFFFF0000  }
0x4b: {  	[hbm4b:s10+s3] =	stream.linear.scatter [tilespmem:s6], [sflag:$0x2], $0x10000, $0x38;
	[tilespmem:$0x10200] =	vst v63  }
0x4c: {  	_ =	swait.ge [sflag:s4], $0x10000  }
0x4d: {  	[sflag:s4] =	ssyncset.done $0x0  }
0x4e: {  	[sflag:s4] =	ssyncadd.s32 $0xFFFF0000  }
0x4f: {  	[tilespmem:s3], [sflag:$0x2] =	stream.linear.gather [hbm4b:s11+s3], $0x200, $0x38;
	[tilespmem:$0x10200] =	vst v63  }
0x50: {  	_ =	swait.ge [sflag:s4], $0x200  }
0x51: {  	[sflag:s4] =	ssyncset.done $0x0  }
0x52: {  	[sflag:s4] =	ssyncadd.s32 $0xFFFFFE00  }
0x53: {  	[tilespmem:s6], [sflag:$0x1] =	stream.indirect.gather [hbm4b:s2+s6], $0x80, s3, s6, $0xb8;
	[tilespmem:$0x10200] =	vst v63  }
0x54: {  	_ =	swait.ge [sflag:s7], $0x10000  }
0x55: {  	[sflag:s7] =	ssyncset.done $0x0  }
0x56: {  	[sflag:s7] =	ssyncadd.s32 $0xFFFF0000  }
0x57: {  	[hbm4b:s12+s3] =	stream.linear.scatter [tilespmem:s6], [sflag:$0x2], $0x10000, $0x38;
	[tilespmem:$0x10200] =	vst v63  }
0x58: {  	_ =	swait.ge [sflag:s4], $0x10000  }
0x59: {  	[sflag:s4] =	ssyncset.done $0x0  }
0x5a: {  	[sflag:s4] =	ssyncadd.s32 $0xFFFF0000  }
0x5b: {  	[tilespmem:s3], [sflag:$0x2] =	stream.linear.gather [hbm4b:s13+s3], $0x200, $0x38;
	[tilespmem:$0x10200] =	vst v63  }
0x5c: {  	_ =	swait.ge [sflag:s4], $0x200  }
0x5d: {  	[sflag:s4] =	ssyncset.done $0x0  }
0x5e: {  	[sflag:s4] =	ssyncadd.s32 $0xFFFFFE00  }
0x5f: {  	[tilespmem:s6], [sflag:$0x1] =	stream.indirect.gather [hbm4b:s2+s6], $0x80, s3, s6, $0xb8;
	[tilespmem:$0x10200] =	vst v63  }
0x60: {  	_ =	swait.ge [sflag:s7], $0x10000  }
.Ltmp1:
0x61: {  	[sflag:s7] =	ssyncset.done $0x0;
	(pc) =	sbr.rel @p0 .LBB2_1-.Ltmp1, $4  }
0x62: {  	[sflag:s7] =	ssyncadd.s32 $0xFFFF0000  }
0x63: {  	[hbm4b:s14+s3] =	stream.linear.scatter [tilespmem:s6], [sflag:$0x2], $0x10000, $0x38;
	[tilespmem:$0x10200] =	vst v63  }
0x64: {  	_ =	swait.ge [sflag:s4], $0x10000  }
0x65: {  	[sflag:s4] =	ssyncset.done $0x0  }
.LBB2_2:
0x66: {  	[sflag:s4] =	ssyncadd.s32 $0xFFFF0000  }
0x67: {  	_ =	sfence.sel $0x180000  }
0x68: {  	[bflag:$0x0] =	sbarrier.arrive $0xFFFF  }
0x69: {  	p0 =	sne.s32 s0, $0x0;
	_ =	strace $0x90000047  }
0x6a: {  	s0 =	sadd.s32 @!p0 $0x100000, s1;
	[bflag:$0x2] =	sbarrier.arrive $0xFFFF  }
0x6b: {  	[sflag:s0] =	ssyncadd.tile.s32 @!p0 $0x1;
	_ =	shalt  }
.Lfunc_end2:
_tile_overlayer_lowered:
.L_overlay_start_2:
0x6c: {  	(tag) =	ssettag $0x2  }
0x6d: {  	s0 =	rddreg [dreg:$0x0];
	s2 =	stileid.u32  }
0x6e: {  	s1 =	rddreg [dreg:$0x1];
	p0 =	sne.s32 s2, $0x0  }
0x6f: {  	s3 =	rddreg [dreg:$0x2];
	[bflag:$0x3] =	sbarrier.arrive $0xFFFF;
	s2 =	simm.s32 @!p0 $0x1C02  }
0x70: {  	[timem:s3], [sflag:s2] =	dma.local @!p0 [hbm:s0], s1  }
0x71: {  	s0 =	simm.s32 @!p0 $0x2  }
0x72: {  	_ =	swait.ge @!p0 [sflag:s0], s1  }
0x73: {  	s1 =	ssub.s32 @!p0 $0x0, s1;
	[sflag:s0] =	ssyncset.done @!p0 $0x0  }
0x74: {  	[sflag:s0] =	ssyncadd.s32 @!p0 s1  }
0x75: {  	[bflag:$0x3] =	sbarrier.arrive $0xFFFF  }
0x76: {  	_ =	shalt  }

</sc_bundles>
